<compile_context>
chip_gen: v7x
topology: tpu7x:2x2x1
jax: 0.10.2.dev20260603
libtpu: 0.0.44.dev20260713+nightly
codegen_flags: <defaults>
</compile_context>

<pallas_src>
import functools

import numpy as np
import jax
import jax.numpy as jnp
from jax import lax
from jax.experimental import pallas as pl
from jax.experimental.pallas import tpu as pltpu
from jax.experimental.pallas import tpu_sc as plsc

_CUTOFF = 5.0

_Z0 = np.pi * np.arange(1, 7)
_Z1 = np.array([4.493409457909064, 7.725251836937707, 10.904121659428899,
                14.066193912831473, 17.220755271930768, 20.371302959287563])
_Z2 = np.array([5.763459196894550, 9.095011330476355, 12.322940970566582,
                15.514603010886749, 18.689036355362822, 21.853874222709220])


def _nj1(x):
    return np.sin(x) / x**2 - np.cos(x) / x


def _nj2(x):
    return (3.0 / x**3 - 1.0 / x) * np.sin(x) - 3.0 * np.cos(x) / x**2


def _nj3(x):
    return (15.0 / x**4 - 6.0 / x**2) * np.sin(x) - (15.0 / x**3 - 1.0 / x) * np.cos(x)


_N0 = 1.0 / np.sqrt(0.5 * _nj1(_Z0) ** 2)
_N1 = 1.0 / np.sqrt(0.5 * _nj2(_Z1) ** 2)
_N2 = 1.0 / np.sqrt(0.5 * _nj3(_Z2) ** 2)

_ZALL = np.concatenate([_Z0, _Z1, _Z2]).astype(np.float32)
_NALL = np.concatenate([_N0, _N1, _N2]).astype(np.float32)

_NW = 32

_INVPI = np.float32(1.0 / np.pi)
_PI32 = np.float32(np.pi)
_S1, _S2, _S3 = -0.1666584, 0.00831457, -0.00018561
_C1, _C2, _C3, _C4 = (-4.99999463e-01, 4.16643982e-02,
                      -1.38591965e-03, 2.32715748e-05)


def _reduce_pi(a):
    q = jax.lax.round(a * _INVPI, jax.lax.RoundingMethod.TO_NEAREST_EVEN)
    r = a - q * _PI32
    qi = q.astype(jnp.int32)
    sgn = jax.lax.shift_left(jnp.bitwise_and(qi, 1), 31)
    return r, sgn


def _apply_sign(v, sgn):
    vi = jax.lax.bitcast_convert_type(v, jnp.int32)
    return jax.lax.bitcast_convert_type(jnp.bitwise_xor(vi, sgn), jnp.float32)


def _sin_from(r, r2, sgn):
    return _apply_sign(r * (1.0 + r2 * (_S1 + r2 * (_S2 + r2 * _S3))), sgn)


def _cos_from(r2, sgn):
    return _apply_sign(
        1.0 + r2 * (_C1 + r2 * (_C2 + r2 * (_C3 + r2 * _C4))), sgn)


def _sc_gather(dist, idx):
    t_total = idx.shape[0]
    chunk = t_total // _NW
    mesh = plsc.VectorSubcoreMesh(core_axis_name="c", subcore_axis_name="s")

    @functools.partial(
        pl.kernel,
        out_type=jax.ShapeDtypeStruct((t_total,), jnp.float32),
        mesh=mesh,
        scratch_types=[
            pltpu.VMEM((chunk,), jnp.int32),
            pltpu.VMEM((chunk,), jnp.float32),
            pltpu.SemaphoreType.DMA,
        ],
    )
    def gather_kernel(dist_hbm, idx_hbm, out_hbm, idx_v, d_v, sem):
        wid = lax.axis_index("s") * 2 + lax.axis_index("c")
        base = wid * chunk
        pltpu.sync_copy(idx_hbm.at[pl.ds(base, chunk)], idx_v)
        pltpu.async_copy(dist_hbm.at[idx_v], d_v, sem).wait()
        pltpu.sync_copy(d_v, out_hbm.at[pl.ds(base, chunk)])

    return gather_kernel(dist, idx)


def _tc_compute(dg, angle, phi):
    t_total = dg.shape[0]
    blk = 25600
    grid = t_total // blk
    d2 = dg.reshape(1, t_total)
    th2 = angle.reshape(1, t_total)
    ph2 = phi.reshape(1, t_total)

    tab = np.zeros((24, 7 * 128), np.float32)
    tab[:12, 0:128] = (np.concatenate([_Z1, _Z2]) / _CUTOFF)[:, None]
    tab[12:18, 0:128] = (_Z0 / _CUTOFF)[:, None]
    alpha = np.concatenate([np.zeros(6), -_N2])
    beta = np.concatenate([_N1, np.zeros(6)])
    gamma = np.concatenate([np.zeros(6), 3.0 * _N2])
    delta = np.concatenate([-_N1, np.zeros(6)])
    eps = np.concatenate([np.zeros(6), -3.0 * _N2])
    for gi, col in enumerate((alpha, beta, gamma, delta, eps)):
        tab[:12, (gi + 1) * 128:(gi + 2) * 128] = col[:, None].astype(np.float32)
    tab[12:18, 6 * 128:7 * 128] = _N0[:, None].astype(np.float32)
    tab_j = jnp.asarray(tab)

    wr = np.zeros((54, 18), np.float32)
    for ch in range(54):
        z = ch % 18
        wr[ch, z - 6 if z >= 6 else 12 + z] = 1.0
    k1, k2, k3 = -0.4886025119029199, -1.0925484305920792, 0.5462742152960396
    wc = np.zeros((54, 10), np.float32)
    yrows = {0: [(0, 0.28209479177387814)], 1: [(1, k1)], 2: [(3, -k1)],
             3: [(2, k1)], 4: [(5, 2.0 * k3)], 5: [(4, k2)],
             6: [(9, 0.9461746957575601), (0, -0.31539156525252005)],
             7: [(6, k2)], 8: [(8, k3), (7, -k3)]}
    for ch in range(54):
        for col, val in yrows[ch // 6]:
            wc[ch, col] = val
    wr_j = jnp.asarray(wr, dtype=jnp.bfloat16)
    wc_j = jnp.asarray(wc, dtype=jnp.bfloat16)

    def body(tab_ref, wr_ref, wc_ref, d_ref, th_ref, ph_ref, o_ref):
        x = d_ref[...]
        th = th_ref[...]
        ph = ph_ref[...]
        zc12 = tab_ref[0:12, 0:1]
        zc0 = tab_ref[12:18, 0:1]
        aa = jnp.concatenate([zc12 * x, th, ph, zc0 * x], axis=0)
        r_a, sg_a = _reduce_pi(aa)
        r2_a = r_a * r_a
        s = _sin_from(r_a, r2_a, sg_a)
        c = _cos_from(r2_a[0:14], sg_a[0:14])
        rv = 1.0 / aa[0:12]
        al = tab_ref[0:12, 128:129]
        be = tab_ref[0:12, 256:257]
        ga = tab_ref[0:12, 384:385]
        de = tab_ref[0:12, 512:513]
        ep = tab_ref[0:12, 640:641]
        rbf12 = rv * (s[0:12] * (al + rv * (be + ga * rv))
                      + c[0:12] * (de + ep * rv))
        rv0 = 1.0 / aa[14:20]
        j0 = (s[14:20] * rv0) * tab_ref[12:18, 768:769]
        rbase = jnp.concatenate([rbf12, j0], axis=0)

        st, sp = s[12:13], s[13:14]
        ct, cp = c[12:13], c[13:14]
        u1 = st * sp
        u2 = st * cp
        p3 = jnp.concatenate([u1, u2, ct], axis=0)
        pcr = p3 * pltpu.roll(p3, 1, axis=0)
        psq = p3 * p3
        cbase = jnp.concatenate(
            [jnp.full_like(th, 1.0), p3, pcr, psq], axis=0)
        dims = (((1,), (0,)), ((), ()))
        rbf3 = jax.lax.dot_general(wr_ref[...], rbase.astype(jnp.bfloat16),
                                   dims, preferred_element_type=jnp.float32)
        cbf54 = jax.lax.dot_general(wc_ref[...], cbase.astype(jnp.bfloat16),
                                    dims, preferred_element_type=jnp.float32)
        o_ref[...] = rbf3 * cbf54

    out_cm = pl.pallas_call(
        body,
        grid=(grid,),
        in_specs=[
            pl.BlockSpec((24, 7 * 128), lambda i: (0, 0)),
            pl.BlockSpec((54, 18), lambda i: (0, 0)),
            pl.BlockSpec((54, 10), lambda i: (0, 0)),
            pl.BlockSpec((1, blk), lambda i: (0, i)),
            pl.BlockSpec((1, blk), lambda i: (0, i)),
            pl.BlockSpec((1, blk), lambda i: (0, i)),
        ],
        out_specs=pl.BlockSpec((54, blk), lambda i: (0, i)),
        out_shape=jax.ShapeDtypeStruct((54, t_total), jnp.float32),
    )(tab_j, wr_j, wc_j, d2, th2, ph2)
    return out_cm.T


def kernel(dist, angle, phi, idx_kj):
    dg = _sc_gather(dist, idx_kj)
    return _tc_compute(dg, angle, phi)

# --- scband reference (transcript-rebuilt; emitter-appended) ---
"""Pipeline reference for scband-torsion-embedding-50448685859050 (READ-ONLY COPY).

The authoritative reference and input builder live on the scoring server;
editing this copy changes nothing except your own understanding.
"""

import jax, jax.numpy as jnp
import numpy as np

NUM_SPHERICAL = 3
NUM_RADIAL = 6
CUTOFF = 5.0
E = 640000
T = 640000

# Positive zeros z_{l,n} of spherical Bessel functions j_l, l=0,1,2 (first 6 each)
_Z0 = (np.pi * np.arange(1, NUM_RADIAL + 1)).astype(np.float64)
_Z1 = np.array([4.493409457909064, 7.725251836937707, 10.904121659428899,
                14.066193912831473, 17.220755271930768, 20.371302959287563])
_Z2 = np.array([5.763459196894550, 9.095011330476355, 12.322940970566582,
                15.514603010886749, 18.689036355362822, 21.853874222709220])

# numpy closed-form spherical Bessel j_{l+1} for DimeNet normalizers: 1/sqrt(0.5*j_{l+1}(z_{l,n})^2)
def _nj1(x):
    return np.sin(x) / x**2 - np.cos(x) / x

def _nj2(x):
    return (3.0 / x**3 - 1.0 / x) * np.sin(x) - 3.0 * np.cos(x) / x**2

def _nj3(x):
    return (15.0 / x**4 - 6.0 / x**2) * np.sin(x) - (15.0 / x**3 - 1.0 / x) * np.cos(x)

_N0 = (1.0 / np.sqrt(0.5 * _nj1(_Z0) ** 2)).astype(np.float32)
_N1 = (1.0 / np.sqrt(0.5 * _nj2(_Z1) ** 2)).astype(np.float32)
_N2 = (1.0 / np.sqrt(0.5 * _nj3(_Z2) ** 2)).astype(np.float32)
_Z0f = _Z0.astype(np.float32)
_Z1f = _Z1.astype(np.float32)
_Z2f = _Z2.astype(np.float32)


def _rbf(dist):
    # dist already divided by cutoff by caller
    a0 = dist[:, None] * jnp.asarray(_Z0f)[None, :]
    a1 = dist[:, None] * jnp.asarray(_Z1f)[None, :]
    a2 = dist[:, None] * jnp.asarray(_Z2f)[None, :]
    j0 = jnp.sin(a0) / a0
    j1 = jnp.sin(a1) / a1**2 - jnp.cos(a1) / a1
    j2 = (3.0 / a2**3 - 1.0 / a2) * jnp.sin(a2) - 3.0 * jnp.cos(a2) / a2**2
    return jnp.concatenate([jnp.asarray(_N0)[None, :] * j0,
                            jnp.asarray(_N1)[None, :] * j1,
                            jnp.asarray(_N2)[None, :] * j2], axis=1)


def _cbf(theta, phi):
    # Real spherical harmonics Y_l^m(theta, phi), DimeNet convention (incl. Condon-Shortley phase),
    # order: l=0 m=0; l=1 m=-1,0,1; l=2 m=-2,-1,0,1,2
    st, ct = jnp.sin(theta), jnp.cos(theta)
    sp, cp = jnp.sin(phi), jnp.cos(phi)
    s2p, c2p = jnp.sin(2.0 * phi), jnp.cos(2.0 * phi)
    y00 = jnp.full_like(theta, 0.28209479177387814)
    y1m1 = -0.4886025119029199 * st * sp
    y10 = 0.4886025119029199 * ct
    y11 = -0.4886025119029199 * st * cp
    y2m2 = 0.5462742152960396 * st * st * s2p
    y2m1 = -1.0925484305920792 * st * ct * sp
    y20 = 0.31539156525252005 * (3.0 * ct * ct - 1.0)
    y21 = -1.0925484305920792 * st * ct * cp
    y22 = 0.5462742152960396 * st * st * c2p
    return jnp.stack([y00, y1m1, y10, y11, y2m2, y2m1, y20, y21, y22], axis=1)


def setup_inputs(seed: int = 0) -> dict:
    key = jax.random.key(seed)
    k1, k2, k3, k4 = jax.random.split(key, 4)
    # distances in (0.1, 4.9): inside cutoff, away from the x=0 singularity of sin(x)/x
    dist = jax.random.uniform(k1, (E,), dtype=jnp.float32) * 4.8 + 0.1
    angle = jax.random.uniform(k2, (T,), dtype=jnp.float32) * np.pi
    phi = jax.random.uniform(k3, (T,), dtype=jnp.float32) * 2.0 * np.pi - np.pi
    idx_kj = jax.random.randint(k4, (T,), 0, E, dtype=jnp.int32)
    return {"dist": dist, "angle": angle, "phi": phi, "idx_kj": idx_kj}


def reference(dist, angle, phi, idx_kj):
    n, k = NUM_SPHERICAL, NUM_RADIAL
    d = dist / CUTOFF
    rbf = _rbf(d)                      # [E, n*k]
    cbf = _cbf(angle, phi)             # [T, n*n]
    out = (jnp.take(rbf, idx_kj, axis=0).reshape(-1, 1, n, k)
           * cbf.reshape(-1, n, n, 1)).reshape(-1, n * n * k)
    return out

if __name__ == "__main__":
    import jax
    _d = setup_inputs()
    print(jax.jit(kernel)(*tuple(_d.values())))

</pallas_src>

<mosaic_0001>
#map = affine_map<(d0, d1) -> (0)>
module attributes {stable_mosaic.version = 14 : i64} {
  func.func @gather_kernel(%arg0: i32, %arg1: i32, %arg2: memref<640000xf32, #tpu.memory_space<hbm>>, %arg3: memref<640000xi32, #tpu.memory_space<hbm>>, %arg4: memref<640000xf32, #tpu.memory_space<hbm>>, %arg5: memref<20000xi32, #tpu.memory_space<vmem>>, %arg6: memref<20000xf32, #tpu.memory_space<vmem>>, %arg7: memref<!tpu.dma_semaphore, #tpu.memory_space<semaphore_mem>>) attributes {dimension_semantics = [#tpu.dimension_semantics<core_parallel>, #tpu.dimension_semantics<subcore_parallel>], iteration_bounds = array<i64: 2, 16>, scalar_prefetch = 0 : i64, scratch_operands = 3 : i64, tpu.core_type = #tpu.core_type<sc_vector_subcore>, window_params = [{transform_indices = #map}, {transform_indices = #map}, {transform_indices = #map}]} {
    %mul3A = arith.constant 2 : i32
    %mul3A_0 = arith.muli %arg1, %mul3A : i32
    %add3A = arith.addi %mul3A_0, %arg0 : i32
    %mul3A_1 = arith.constant 20000 : i32
    %mul3A_2 = arith.muli %add3A, %mul3A_1 : i32
    "tpu.region"() ({
      %run_scoped3A = tpu.sem_alloc : memref<!tpu.dma_semaphore, #tpu.memory_space<semaphore_mem>>
      %dma_start3A_5 = tpu.memref_slice %arg3[%mul3A_2] : memref<640000xi32, #tpu.memory_space<hbm>> -> memref<20000xi32, #tpu.memory_space<hbm>>
      %dma_start3A_6 = tpu.memref_slice %arg3[%mul3A_2] : memref<640000xi32, #tpu.memory_space<hbm>> -> memref<20000xi32, #tpu.memory_space<hbm>>
      tpu.enqueue_dma source(%dma_start3A_6 : memref<20000xi32, #tpu.memory_space<hbm>>) target(%arg5 : memref<20000xi32, #tpu.memory_space<vmem>>) target_semaphore(%run_scoped3A : memref<!tpu.dma_semaphore, #tpu.memory_space<semaphore_mem>>)
      %dma_wait3A_7 = tpu.memref_slice %arg3[%mul3A_2] : memref<640000xi32, #tpu.memory_space<hbm>> -> memref<20000xi32, #tpu.memory_space<hbm>>
      %dma_wait3A_8 = tpu.memref_slice %arg3[%mul3A_2] : memref<640000xi32, #tpu.memory_space<hbm>> -> memref<20000xi32, #tpu.memory_space<hbm>>
      tpu.wait_dma2 semaphore(%run_scoped3A : memref<!tpu.dma_semaphore, #tpu.memory_space<semaphore_mem>>) src(%dma_wait3A_8 : memref<20000xi32, #tpu.memory_space<hbm>>) dst(%arg5 : memref<20000xi32, #tpu.memory_space<vmem>>)
      tpu.yield
    }) : () -> ()
    %dma_start3A = arith.constant 0 : i32
    %dma_start3A_3 = tpu.memref_slice %arg2[%dma_start3A] : memref<640000xf32, #tpu.memory_space<hbm>> -> memref<640000xf32, #tpu.memory_space<hbm>>
    tpu.enqueue_indirect_dma source(%dma_start3A_3 : memref<640000xf32, #tpu.memory_space<hbm>>) target(%arg6 : memref<20000xf32, #tpu.memory_space<vmem>>) offsets(%arg5 : memref<20000xi32, #tpu.memory_space<vmem>>) semaphore(%arg7 : memref<!tpu.dma_semaphore, #tpu.memory_space<semaphore_mem>>)
    %dma_wait3A = arith.constant 0 : i32
    %dma_wait3A_4 = tpu.memref_slice %arg2[%dma_wait3A] : memref<640000xf32, #tpu.memory_space<hbm>> -> memref<640000xf32, #tpu.memory_space<hbm>>
    tpu.wait_indirect_dma semaphore(%arg7 : memref<!tpu.dma_semaphore, #tpu.memory_space<semaphore_mem>>) src(%dma_wait3A_4 : memref<640000xf32, #tpu.memory_space<hbm>>) dst(%arg6 : memref<20000xf32, #tpu.memory_space<vmem>>)
    "tpu.region"() ({
      %run_scoped3A = tpu.sem_alloc : memref<!tpu.dma_semaphore, #tpu.memory_space<semaphore_mem>>
      %dma_start3A_5 = tpu.memref_slice %arg4[%mul3A_2] : memref<640000xf32, #tpu.memory_space<hbm>> -> memref<20000xf32, #tpu.memory_space<hbm>>
      %dma_start3A_6 = tpu.memref_slice %arg4[%mul3A_2] : memref<640000xf32, #tpu.memory_space<hbm>> -> memref<20000xf32, #tpu.memory_space<hbm>>
      tpu.enqueue_dma source(%arg6 : memref<20000xf32, #tpu.memory_space<vmem>>) target(%dma_start3A_6 : memref<20000xf32, #tpu.memory_space<hbm>>) target_semaphore(%run_scoped3A : memref<!tpu.dma_semaphore, #tpu.memory_space<semaphore_mem>>)
      %dma_wait3A_7 = tpu.memref_slice %arg4[%mul3A_2] : memref<640000xf32, #tpu.memory_space<hbm>> -> memref<20000xf32, #tpu.memory_space<hbm>>
      %dma_wait3A_8 = tpu.memref_slice %arg4[%mul3A_2] : memref<640000xf32, #tpu.memory_space<hbm>> -> memref<20000xf32, #tpu.memory_space<hbm>>
      tpu.wait_dma2 semaphore(%run_scoped3A : memref<!tpu.dma_semaphore, #tpu.memory_space<semaphore_mem>>) src(%arg6 : memref<20000xf32, #tpu.memory_space<vmem>>) dst(%dma_wait3A_8 : memref<20000xf32, #tpu.memory_space<hbm>>)
      tpu.yield
    }) : () -> ()
    return
  }
}

module attributes {stable_mosaic.version = 14 : i64} {
  func.func @body(%arg0: i32, %arg1: memref<24x896xf32, #tpu.memory_space<vmem>>, %arg2: memref<54x18xbf16, #tpu.memory_space<vmem>>, %arg3: memref<54x10xbf16, #tpu.memory_space<vmem>>, %arg4: memref<1x25600xf32, #tpu.memory_space<vmem>>, %arg5: memref<1x25600xf32, #tpu.memory_space<vmem>>, %arg6: memref<1x25600xf32, #tpu.memory_space<vmem>>, %arg7: memref<54x25600xf32, #tpu.memory_space<vmem>>) attributes {dimension_semantics = [#tpu.dimension_semantics<arbitrary>], iteration_bounds = array<i64: 25>, scalar_prefetch = 0 : i64, scratch_operands = 0 : i64, tpu.core_type = #tpu.core_type<tc>, window_params = [{pipeline_mode = #tpu.pipeline_mode<synchronous>, transform_indices = @transform_0, window_bounds = array<i64: 24, 896>}, {pipeline_mode = #tpu.pipeline_mode<synchronous>, transform_indices = @transform_1, window_bounds = array<i64: 54, 18>}, {pipeline_mode = #tpu.pipeline_mode<synchronous>, transform_indices = @transform_2, window_bounds = array<i64: 54, 10>}, {transform_indices = @transform_3, window_bounds = array<i64: 1, 25600>}, {transform_indices = @transform_4, window_bounds = array<i64: 1, 25600>}, {transform_indices = @transform_5, window_bounds = array<i64: 1, 25600>}, {transform_indices = @transform_6, window_bounds = array<i64: 54, 25600>}]} {
    %get3A = arith.constant 0 : index
    %get3A_0 = arith.constant 0 : index
    %get3A_1 = vector.load %arg4[%get3A, %get3A_0] : memref<1x25600xf32, #tpu.memory_space<vmem>>, vector<1x25600xf32>
    %get3A_2 = arith.constant 0 : index
    %get3A_3 = arith.constant 0 : index
    %get3A_4 = vector.load %arg5[%get3A_2, %get3A_3] : memref<1x25600xf32, #tpu.memory_space<vmem>>, vector<1x25600xf32>
    %get3A_5 = arith.constant 0 : index
    %get3A_6 = arith.constant 0 : index
    %get3A_7 = vector.load %arg6[%get3A_5, %get3A_6] : memref<1x25600xf32, #tpu.memory_space<vmem>>, vector<1x25600xf32>
    %get3A_8 = arith.constant 0 : index
    %get3A_9 = arith.constant 0 : index
    %get3A_10 = vector.load %arg1[%get3A_8, %get3A_9] : memref<24x896xf32, #tpu.memory_space<vmem>>, vector<12x1xf32>
    %get3A_11 = arith.constant 12 : index
    %get3A_12 = arith.constant 0 : index
    %get3A_13 = vector.load %arg1[%get3A_11, %get3A_12] : memref<24x896xf32, #tpu.memory_space<vmem>>, vector<6x1xf32>
    %mul3A = vector.broadcast %get3A_10 : vector<12x1xf32> to vector<12x25600xf32>
    %mul3A_14 = vector.broadcast %get3A_1 : vector<1x25600xf32> to vector<12x25600xf32>
    %mul3A_15 = arith.mulf %mul3A, %mul3A_14 : vector<12x25600xf32>
    %mul3A_16 = vector.broadcast %get3A_13 : vector<6x1xf32> to vector<6x25600xf32>
    %mul3A_17 = vector.broadcast %get3A_1 : vector<1x25600xf32> to vector<6x25600xf32>
    %mul3A_18 = arith.mulf %mul3A_16, %mul3A_17 : vector<6x25600xf32>
    %concatenate3A = tpu.concatenate %mul3A_15, %get3A_4, %get3A_7, %mul3A_18 in 0 : vector<12x25600xf32>, vector<1x25600xf32>, vector<1x25600xf32>, vector<6x25600xf32> -> vector<20x25600xf32>
    %mul3A_19 = arith.constant 0.318309873 : f32
    %mul3A_20 = vector.broadcast %mul3A_19 : f32 to vector<20x25600xf32>
    %mul3A_21 = arith.mulf %concatenate3A, %mul3A_20 : vector<20x25600xf32>
    %round3A = math.roundeven %mul3A_21 : vector<20x25600xf32>
    %mul3A_22 = arith.constant 3.14159274 : f32
    %mul3A_23 = vector.broadcast %mul3A_22 : f32 to vector<20x25600xf32>
    %mul3A_24 = arith.mulf %round3A, %mul3A_23 : vector<20x25600xf32>
    %sub3A = arith.subf %concatenate3A, %mul3A_24 : vector<20x25600xf32>
    %convert_element_type3A = arith.fptosi %round3A : vector<20x25600xf32> to vector<20x25600xi32>
    %and3A = arith.constant 1 : i32
    %and3A_25 = vector.broadcast %and3A : i32 to vector<20x25600xi32>
    %and3A_26 = arith.andi %convert_element_type3A, %and3A_25 : vector<20x25600xi32>
    %shift_left3A = arith.constant 31 : i32
    %shift_left3A_27 = vector.broadcast %shift_left3A : i32 to vector<20x25600xi32>
    %shift_left3A_28 = arith.shli %and3A_26, %shift_left3A_27 : vector<20x25600xi32>
    %mul3A_29 = arith.mulf %sub3A, %sub3A : vector<20x25600xf32>
    %mul3A_30 = arith.constant -1.856100e-04 : f32
    %mul3A_31 = vector.broadcast %mul3A_30 : f32 to vector<20x25600xf32>
    %mul3A_32 = arith.mulf %mul3A_29, %mul3A_31 : vector<20x25600xf32>
    %add3A = arith.constant 8.314570e-03 : f32
    %add3A_33 = vector.broadcast %add3A : f32 to vector<20x25600xf32>
    %add3A_34 = arith.addf %add3A_33, %mul3A_32 : vector<20x25600xf32>
    %mul3A_35 = arith.mulf %mul3A_29, %add3A_34 : vector<20x25600xf32>
    %add3A_36 = arith.constant -0.166658401 : f32
    %add3A_37 = vector.broadcast %add3A_36 : f32 to vector<20x25600xf32>
    %add3A_38 = arith.addf %add3A_37, %mul3A_35 : vector<20x25600xf32>
    %mul3A_39 = arith.mulf %mul3A_29, %add3A_38 : vector<20x25600xf32>
    %add3A_40 = arith.constant 1.000000e+00 : f32
    %add3A_41 = vector.broadcast %add3A_40 : f32 to vector<20x25600xf32>
    %add3A_42 = arith.addf %add3A_41, %mul3A_39 : vector<20x25600xf32>
    %mul3A_43 = arith.mulf %sub3A, %add3A_42 : vector<20x25600xf32>
    %bitcast_convert_type3A = tpu.bitcast %mul3A_43 : vector<20x25600xf32> -> vector<20x25600xi32>
    %xor3A = arith.xori %bitcast_convert_type3A, %shift_left3A_28 : vector<20x25600xi32>
    %bitcast_convert_type3A_44 = tpu.bitcast %xor3A : vector<20x25600xi32> -> vector<20x25600xf32>
    %slice3A = vector.extract_strided_slice %mul3A_29 {offsets = [0, 0], sizes = [14, 25600], strides = [1, 1]} : vector<20x25600xf32> to vector<14x25600xf32>
    %slice3A_45 = vector.extract_strided_slice %shift_left3A_28 {offsets = [0, 0], sizes = [14, 25600], strides = [1, 1]} : vector<20x25600xi32> to vector<14x25600xi32>
    %mul3A_46 = arith.constant 2.32715756E-5 : f32
    %mul3A_47 = vector.broadcast %mul3A_46 : f32 to vector<14x25600xf32>
    %mul3A_48 = arith.mulf %slice3A, %mul3A_47 : vector<14x25600xf32>
    %add3A_49 = arith.constant -0.00138591963 : f32
    %add3A_50 = vector.broadcast %add3A_49 : f32 to vector<14x25600xf32>
    %add3A_51 = arith.addf %add3A_50, %mul3A_48 : vector<14x25600xf32>
    %mul3A_52 = arith.mulf %slice3A, %add3A_51 : vector<14x25600xf32>
    %add3A_53 = arith.constant 4.166440e-02 : f32
    %add3A_54 = vector.broadcast %add3A_53 : f32 to vector<14x25600xf32>
    %add3A_55 = arith.addf %add3A_54, %mul3A_52 : vector<14x25600xf32>
    %mul3A_56 = arith.mulf %slice3A, %add3A_55 : vector<14x25600xf32>
    %add3A_57 = arith.constant -0.499999464 : f32
    %add3A_58 = vector.broadcast %add3A_57 : f32 to vector<14x25600xf32>
    %add3A_59 = arith.addf %add3A_58, %mul3A_56 : vector<14x25600xf32>
    %mul3A_60 = arith.mulf %slice3A, %add3A_59 : vector<14x25600xf32>
    %add3A_61 = arith.constant 1.000000e+00 : f32
    %add3A_62 = vector.broadcast %add3A_61 : f32 to vector<14x25600xf32>
    %add3A_63 = arith.addf %add3A_62, %mul3A_60 : vector<14x25600xf32>
    %bitcast_convert_type3A_64 = tpu.bitcast %add3A_63 : vector<14x25600xf32> -> vector<14x25600xi32>
    %xor3A_65 = arith.xori %bitcast_convert_type3A_64, %slice3A_45 : vector<14x25600xi32>
    %bitcast_convert_type3A_66 = tpu.bitcast %xor3A_65 : vector<14x25600xi32> -> vector<14x25600xf32>
    %slice3A_67 = vector.extract_strided_slice %concatenate3A {offsets = [0, 0], sizes = [12, 25600], strides = [1, 1]} : vector<20x25600xf32> to vector<12x25600xf32>
    %div3A = arith.constant 1.000000e+00 : f32
    %div3A_68 = vector.broadcast %div3A : f32 to vector<12x25600xf32>
    %div3A_69 = arith.divf %div3A_68, %slice3A_67 : vector<12x25600xf32>
    %get3A_70 = arith.constant 0 : index
    %get3A_71 = arith.constant 128 : index
    %get3A_72 = vector.load %arg1[%get3A_70, %get3A_71] : memref<24x896xf32, #tpu.memory_space<vmem>>, vector<12x1xf32>
    %get3A_73 = arith.constant 0 : index
    %get3A_74 = arith.constant 256 : index
    %get3A_75 = vector.load %arg1[%get3A_73, %get3A_74] : memref<24x896xf32, #tpu.memory_space<vmem>>, vector<12x1xf32>
    %get3A_76 = arith.constant 0 : index
    %get3A_77 = arith.constant 384 : index
    %get3A_78 = vector.load %arg1[%get3A_76, %get3A_77] : memref<24x896xf32, #tpu.memory_space<vmem>>, vector<12x1xf32>
    %get3A_79 = arith.constant 0 : index
    %get3A_80 = arith.constant 512 : index
    %get3A_81 = vector.load %arg1[%get3A_79, %get3A_80] : memref<24x896xf32, #tpu.memory_space<vmem>>, vector<12x1xf32>
    %get3A_82 = arith.constant 0 : index
    %get3A_83 = arith.constant 640 : index
    %get3A_84 = vector.load %arg1[%get3A_82, %get3A_83] : memref<24x896xf32, #tpu.memory_space<vmem>>, vector<12x1xf32>
    %slice3A_85 = vector.extract_strided_slice %bitcast_convert_type3A_44 {offsets = [0, 0], sizes = [12, 25600], strides = [1, 1]} : vector<20x25600xf32> to vector<12x25600xf32>
    %mul3A_86 = vector.broadcast %get3A_78 : vector<12x1xf32> to vector<12x25600xf32>
    %mul3A_87 = arith.mulf %mul3A_86, %div3A_69 : vector<12x25600xf32>
    %add3A_88 = vector.broadcast %get3A_75 : vector<12x1xf32> to vector<12x25600xf32>
    %add3A_89 = arith.addf %add3A_88, %mul3A_87 : vector<12x25600xf32>
    %mul3A_90 = arith.mulf %div3A_69, %add3A_89 : vector<12x25600xf32>
    %add3A_91 = vector.broadcast %get3A_72 : vector<12x1xf32> to vector<12x25600xf32>
    %add3A_92 = arith.addf %add3A_91, %mul3A_90 : vector<12x25600xf32>
    %mul3A_93 = arith.mulf %slice3A_85, %add3A_92 : vector<12x25600xf32>
    %slice3A_94 = vector.extract_strided_slice %bitcast_convert_type3A_66 {offsets = [0, 0], sizes = [12, 25600], strides = [1, 1]} : vector<14x25600xf32> to vector<12x25600xf32>
    %mul3A_95 = vector.broadcast %get3A_84 : vector<12x1xf32> to vector<12x25600xf32>
    %mul3A_96 = arith.mulf %mul3A_95, %div3A_69 : vector<12x25600xf32>
    %add3A_97 = vector.broadcast %get3A_81 : vector<12x1xf32> to vector<12x25600xf32>
    %add3A_98 = arith.addf %add3A_97, %mul3A_96 : vector<12x25600xf32>
    %mul3A_99 = arith.mulf %slice3A_94, %add3A_98 : vector<12x25600xf32>
    %add3A_100 = arith.addf %mul3A_93, %mul3A_99 : vector<12x25600xf32>
    %mul3A_101 = arith.mulf %div3A_69, %add3A_100 : vector<12x25600xf32>
    %slice3A_102 = vector.extract_strided_slice %concatenate3A {offsets = [14, 0], sizes = [6, 25600], strides = [1, 1]} : vector<20x25600xf32> to vector<6x25600xf32>
    %div3A_103 = arith.constant 1.000000e+00 : f32
    %div3A_104 = vector.broadcast %div3A_103 : f32 to vector<6x25600xf32>
    %div3A_105 = arith.divf %div3A_104, %slice3A_102 : vector<6x25600xf32>
    %slice3A_106 = vector.extract_strided_slice %bitcast_convert_type3A_44 {offsets = [14, 0], sizes = [6, 25600], strides = [1, 1]} : vector<20x25600xf32> to vector<6x25600xf32>
    %mul3A_107 = arith.mulf %slice3A_106, %div3A_105 : vector<6x25600xf32>
    %get3A_108 = arith.constant 12 : index
    %get3A_109 = arith.constant 768 : index
    %get3A_110 = vector.load %arg1[%get3A_108, %get3A_109] : memref<24x896xf32, #tpu.memory_space<vmem>>, vector<6x1xf32>
    %mul3A_111 = vector.broadcast %get3A_110 : vector<6x1xf32> to vector<6x25600xf32>
    %mul3A_112 = arith.mulf %mul3A_107, %mul3A_111 : vector<6x25600xf32>
    %concatenate3A_113 = tpu.concatenate %mul3A_101, %mul3A_112 in 0 : vector<12x25600xf32>, vector<6x25600xf32> -> vector<18x25600xf32>
    %slice3A_114 = vector.extract_strided_slice %bitcast_convert_type3A_44 {offsets = [12, 0], sizes = [1, 25600], strides = [1, 1]} : vector<20x25600xf32> to vector<1x25600xf32>
    %slice3A_115 = vector.extract_strided_slice %bitcast_convert_type3A_44 {offsets = [13, 0], sizes = [1, 25600], strides = [1, 1]} : vector<20x25600xf32> to vector<1x25600xf32>
    %slice3A_116 = vector.extract_strided_slice %bitcast_convert_type3A_66 {offsets = [12, 0], sizes = [1, 25600], strides = [1, 1]} : vector<14x25600xf32> to vector<1x25600xf32>
    %slice3A_117 = vector.extract_strided_slice %bitcast_convert_type3A_66 {offsets = [13, 0], sizes = [1, 25600], strides = [1, 1]} : vector<14x25600xf32> to vector<1x25600xf32>
    %mul3A_118 = arith.mulf %slice3A_114, %slice3A_115 : vector<1x25600xf32>
    %mul3A_119 = arith.mulf %slice3A_114, %slice3A_117 : vector<1x25600xf32>
    %concatenate3A_120 = tpu.concatenate %mul3A_118, %mul3A_119, %slice3A_116 in 0 : vector<1x25600xf32>, vector<1x25600xf32>, vector<1x25600xf32> -> vector<3x25600xf32>
    %roll3A = arith.constant 1 : i32
    %roll3A_121 = tpu.dynamic_rotate %concatenate3A_120 by %roll3A dim 0 : vector<3x25600xf32>, i32 -> vector<3x25600xf32>
    %mul3A_122 = arith.mulf %concatenate3A_120, %roll3A_121 : vector<3x25600xf32>
    %mul3A_123 = arith.mulf %concatenate3A_120, %concatenate3A_120 : vector<3x25600xf32>
    %broadcast_in_dim3A = arith.constant 1.000000e+00 : f32
    %broadcast_in_dim3A_124 = vector.broadcast %broadcast_in_dim3A : f32 to vector<1x25600xf32>
    %concatenate3A_125 = tpu.concatenate %broadcast_in_dim3A_124, %concatenate3A_120, %mul3A_122, %mul3A_123 in 0 : vector<1x25600xf32>, vector<3x25600xf32>, vector<3x25600xf32>, vector<3x25600xf32> -> vector<10x25600xf32>
    %get3A_126 = arith.constant 0 : index
    %get3A_127 = arith.constant 0 : index
    %get3A_128 = vector.load %arg2[%get3A_126, %get3A_127] : memref<54x18xbf16, #tpu.memory_space<vmem>>, vector<54x18xbf16>
    %convert_element_type3A_129 = arith.truncf %concatenate3A_113 : vector<18x25600xf32> to vector<18x25600xbf16>
    %dot_general3A = arith.constant dense<0.000000e+00> : vector<54x25600xf32>
    %dot_general3A_130 = tpu.matmul %get3A_128, %convert_element_type3A_129, %dot_general3A {dimension_numbers = #tpu.dot_dimension_numbers<[1], [0], [0], [1], [0, 0, 1, 1], [], []>, transpose_lhs_hint = false} : vector<54x18xbf16>, vector<18x25600xbf16>, vector<54x25600xf32> -> vector<54x25600xf32>
    %get3A_131 = arith.constant 0 : index
    %get3A_132 = arith.constant 0 : index
    %get3A_133 = vector.load %arg3[%get3A_131, %get3A_132] : memref<54x10xbf16, #tpu.memory_space<vmem>>, vector<54x10xbf16>
    %convert_element_type3A_134 = arith.truncf %concatenate3A_125 : vector<10x25600xf32> to vector<10x25600xbf16>
    %dot_general3A_135 = arith.constant dense<0.000000e+00> : vector<54x25600xf32>
    %dot_general3A_136 = tpu.matmul %get3A_133, %convert_element_type3A_134, %dot_general3A_135 {dimension_numbers = #tpu.dot_dimension_numbers<[1], [0], [0], [1], [0, 0, 1, 1], [], []>, transpose_lhs_hint = false} : vector<54x10xbf16>, vector<10x25600xbf16>, vector<54x25600xf32> -> vector<54x25600xf32>
    %mul3A_137 = arith.mulf %dot_general3A_130, %dot_general3A_136 : vector<54x25600xf32>
    %swap3A = arith.constant 0 : index
    %swap3A_138 = arith.constant 0 : index
    %swap3A_139 = vector.load %arg7[%swap3A, %swap3A_138] : memref<54x25600xf32, #tpu.memory_space<vmem>>, vector<54x25600xf32>
    tpu.vector_store %arg7[%swap3A, %swap3A_138], %mul3A_137 {strides = array<i32>} : memref<54x25600xf32, #tpu.memory_space<vmem>>, vector<54x25600xf32>,
    return
  }
  func.func @transform_0(%arg0: i32) -> (i32, i32) {
    %c0_i32 = arith.constant 0 : i32
    %c0_i32_0 = arith.constant 0 : i32
    %c0_i32_1 = arith.constant 0 : i32
    return %c0_i32, %c0_i32_0 : i32, i32
  }
  func.func @transform_1(%arg0: i32) -> (i32, i32) {
    %c0_i32 = arith.constant 0 : i32
    %c0_i32_0 = arith.constant 0 : i32
    %c0_i32_1 = arith.constant 0 : i32
    return %c0_i32, %c0_i32_0 : i32, i32
  }
  func.func @transform_2(%arg0: i32) -> (i32, i32) {
    %c0_i32 = arith.constant 0 : i32
    %c0_i32_0 = arith.constant 0 : i32
    %c0_i32_1 = arith.constant 0 : i32
    return %c0_i32, %c0_i32_0 : i32, i32
  }
  func.func @transform_3(%arg0: i32) -> (i32, i32) {
    %c0_i32 = arith.constant 0 : i32
    %c0_i32_0 = arith.constant 0 : i32
    return %c0_i32, %arg0 : i32, i32
  }
  func.func @transform_4(%arg0: i32) -> (i32, i32) {
    %c0_i32 = arith.constant 0 : i32
    %c0_i32_0 = arith.constant 0 : i32
    return %c0_i32, %arg0 : i32, i32
  }
  func.func @transform_5(%arg0: i32) -> (i32, i32) {
    %c0_i32 = arith.constant 0 : i32
    %c0_i32_0 = arith.constant 0 : i32
    return %c0_i32, %arg0 : i32, i32
  }
  func.func @transform_6(%arg0: i32) -> (i32, i32) {
    %c0_i32 = arith.constant 0 : i32
    %c0_i32_0 = arith.constant 0 : i32
    return %c0_i32, %arg0 : i32, i32
  }
}

</mosaic_0001>

<sc_bundles>
// kernel: kernel.4.cloned.1.call-start
scs
__scs_entry_jumppad:
0x0: {  	(pc) =	sbr.rel $0x88, $3  }
0x1: {  	(tag) =	ssettag $0x0;
	lr =	simm.s32 $0x1  }
0x2: {  	[smem:$0x3F9D] =	sst lr;
	_ =	strace $0xD0000000  }
0x3: {  	_ = 	snop  }
0x4: {  	_ = 	snop  }
0x5: {  	_ = 	snop  }
0x6: {  	_ = 	snop  }
0x7: {  	_ = 	snop  }
__scs_overlays_trampoline_lowered:
0x8: {  	[smem:$0x3FAC] =	sst s0  }
0x9: {  	[smem:$0x3FAD] =	sst s1  }
0xa: {  	[smem:$0x3FAE] =	sst s2  }
0xb: {  	[smem:$0x3FAF] =	sst s3  }
0xc: {  	[smem:$0x3FB0] =	sst s4  }
0xd: {  	[smem:$0x3FB1] =	sst s5  }
0xe: {  	[smem:$0x3FB2] =	sst s6  }
0xf: {  	[smem:$0x3FB3] =	sst s7  }
0x10: {  	[smem:$0x3FB4] =	sst s8  }
0x11: {  	[smem:$0x3FB5] =	sst s9;
	s0 =	simm.s32 @!p0 $0x0  }
0x12: {  	s1 =	sld [smem:$0x3F9B];
	s0 =	simm.s32 @p0 $0x1  }
0x13: {  	[smem:$0x3FB6] =	sst s0;
	s0 =	simm.s32 @!p1 $0x0  }
0x14: {  	s2 =	sld [smem:$0x3F9A];
	s0 =	simm.s32 @p1 $0x1  }
0x15: {  	[smem:$0x3FB7] =	sst s0;
	s0 =	simm.s32 @!p2 $0x0  }
0x16: {  	s3 =	sld [smem:$0x3FDB];
	s0 =	simm.s32 @p2 $0x1  }
0x17: {  	s4 =	simm.s32 $0x1BF5;
	[smem:$0x3FB9] =	sst s0  }
0x18: {  	s0 =	sld [smem:$0x3F9C];
	_ =	swait.ge [sflag:s4], $0x0  }
0x19: {  	s7 =	sld [smem:$0x3F9D]  }
0x1a: {  	s8 =	sadd.s32 $0xFFFFE003, lr  }
0x1b: {  	s9 =	sadd.s32 $0xFFFFFEF7, lr;
	s5 =	simm.s32 $0xFFFFFFFF;
	p2 =	slt.u32 s8, $0xFFFFF086  }
0x1c: {  	p1 =	slt.u32 s9, $0xF7A;
	s5 =	simm.s32 @!p2 $0x0  }
0x1d: {  	s5 =	simm.s32 @p1 $0x1;
	p0 =	seq.s32 s7, s2  }
0x1e: {  	s7 =	smul.u32 @!p0 $0xF7A, s2;
	p2 =	seq.s32 @!p0 s5, $0x0  }
0x1f: {  	s9 =	smul.u32 $0xF7A, s1;
	s8 =	simm.s32 @!p0 $0x1BF5;
	p2 =	por !p2, p0  }
0x20: {  	[sflag:s8] =	ssyncset.s32 @!p0 $0xFFFFF086;
	s6 =	sadd.s32 @!p0 s3, s7;
	s7 =	simm.s32 @!p0 $0x108  }
0x21: {  	s3 =	sadd.s32 s3, s9;
	s6 =	sadd.s32 @!p0 $0x88, s6;
	s7 =	simm.s32 @p2 $0x1082  }
0x22: {  	[simem:s7], [sflag:s8] =	dma.local @!p0 [hbm:s6], $0xF7A  }
0x23: {  	s9 =	sor.u32 $0xD0000000, s2;
	s6 =	simm.s32 $0x108;
	_ =	swait.ge @!p0 [sflag:s8], $0x0  }
0x24: {  	s3 =	sadd.s32 $0x88, s3;
	s6 =	simm.s32 @!p1 $0x1082;
	[sflag:s4] =	ssyncset.s32 $0xFFFFF086  }
0x25: {  	[simem:s6], [sflag:s4] =	dma.local [hbm:s3], $0xF7A  }
0x26: {  	[smem:$0x3F9D] =	sst s1;
	(tag) =	ssettag s2;
	_ =	strace s9  }
0x27: {  	s1 =	sld [smem:$0x3FAD]  }
0x28: {  	s2 =	sld [smem:$0x3FAE]  }
0x29: {  	s4 =	sld [smem:$0x3FB0]  }
0x2a: {  	p0 =	seq.s32 s5, $0x0;
	s5 =	sld [smem:$0x3FB1]  }
0x2b: {  	s6 =	sld [smem:$0x3FB2]  }
0x2c: {  	s7 =	sld [smem:$0x3FB3]  }
0x2d: {  	s3 =	simm.s32 $0x108;
	s8 =	sld [smem:$0x3FB4]  }
0x2e: {  	s3 =	simm.s32 @!p0 $0x1082;
	s9 =	sld [smem:$0x3FB5]  }
0x2f: {  	lr =	sadd.s32 s0, s3;
	s0 =	sld [smem:$0x3FAC]  }
0x30: {  	s3 =	sld [smem:$0x3FAF]  }
0x31: {  	[smem:$0x3FB8] =	sst s10  }
0x32: {  	s10 =	sld [smem:$0x3FB6];
	_ =	sdelay $0x3  }
0x33: {  	p0 =	seq.s32 s10, $0x1;
	s10 =	sld [smem:$0x3FB8];
	_ =	sdelay $0x3  }
0x34: {  	[smem:$0x3FB8] =	sst s10  }
0x35: {  	s10 =	sld [smem:$0x3FB7];
	_ =	sdelay $0x3  }
0x36: {  	p1 =	seq.s32 s10, $0x1;
	s10 =	sld [smem:$0x3FB8];
	_ =	sdelay $0x3  }
0x37: {  	[smem:$0x3FB8] =	sst s10  }
0x38: {  	s10 =	sld [smem:$0x3FB9]  }
0x39: {  	_ = 	snop;
	(pc) =	sbr.ind lr, $3  }
0x3a: {  	_ = 	snop  }
0x3b: {  	_ = 	snop  }
0x3c: {  	p2 =	seq.s32 s10, $0x1;
	s10 =	sld [smem:$0x3FB8]  }
0x3d: {  	_ =	shalt  }
0x3e: {  	_ =	shalt  }
0x3f: {  	_ =	shalt  }
0x40: {  	_ =	shalt  }
0x41: {  	_ =	shalt  }
0x42: {  	_ =	shalt  }
0x43: {  	_ =	shalt  }
0x44: {  	_ =	shalt  }
0x45: {  	_ =	shalt  }
0x46: {  	_ =	shalt  }
0x47: {  	_ =	shalt  }
0x48: {  	_ =	shalt  }
0x49: {  	_ =	shalt  }
0x4a: {  	_ =	shalt  }
0x4b: {  	_ =	shalt  }
0x4c: {  	_ =	shalt  }
0x4d: {  	_ =	shalt  }
0x4e: {  	_ =	shalt  }
0x4f: {  	_ =	shalt  }
0x50: {  	_ =	shalt  }
0x51: {  	_ =	shalt  }
0x52: {  	_ =	shalt  }
0x53: {  	_ =	shalt  }
0x54: {  	_ =	shalt  }
0x55: {  	_ =	shalt  }
0x56: {  	_ =	shalt  }
0x57: {  	_ =	shalt  }
0x58: {  	_ =	shalt  }
0x59: {  	_ =	shalt  }
0x5a: {  	_ =	shalt  }
0x5b: {  	_ =	shalt  }
0x5c: {  	_ =	shalt  }
0x5d: {  	_ =	shalt  }
0x5e: {  	_ =	shalt  }
0x5f: {  	_ =	shalt  }
0x60: {  	_ =	shalt  }
0x61: {  	_ =	shalt  }
0x62: {  	_ =	shalt  }
0x63: {  	_ =	shalt  }
0x64: {  	_ =	shalt  }
0x65: {  	_ =	shalt  }
0x66: {  	_ =	shalt  }
0x67: {  	_ =	shalt  }
0x68: {  	_ =	shalt  }
0x69: {  	_ =	shalt  }
0x6a: {  	_ =	shalt  }
0x6b: {  	_ =	shalt  }
0x6c: {  	_ =	shalt  }
0x6d: {  	_ =	shalt  }
0x6e: {  	_ =	shalt  }
0x6f: {  	_ =	shalt  }
0x70: {  	_ =	shalt  }
0x71: {  	_ =	shalt  }
0x72: {  	_ =	shalt  }
0x73: {  	_ =	shalt  }
0x74: {  	_ =	shalt  }
0x75: {  	_ =	shalt  }
0x76: {  	_ =	shalt  }
0x77: {  	_ =	shalt  }
0x78: {  	_ =	shalt  }
0x79: {  	_ =	shalt  }
0x7a: {  	_ =	shalt  }
0x7b: {  	_ =	shalt  }
0x7c: {  	_ =	shalt  }
0x7d: {  	_ =	shalt  }
0x7e: {  	_ =	shalt  }
0x7f: {  	_ =	shalt  }
0x80: {  	_ =	shalt  }
0x81: {  	_ =	shalt  }
0x82: {  	_ =	shalt  }
0x83: {  	_ =	shalt  }
0x84: {  	_ =	shalt  }
0x85: {  	_ =	shalt  }
0x86: {  	_ =	shalt  }
0x87: {  	_ =	shalt  }
.Lfunc_end0:
.L_simem_size_0:
called_computation_lowered:
.L_overlay_start_0:
0x88: {  	s2 =	sld [smem:$0x3FD9]  }
0x89: {  	s3 =	sld [smem:$0x3FFE];
	_ =	sdelay $0x1  }
0x8a: {  	s1 =	srdreg.scid  }
0x8b: {  	s0 =	sand.u32 $0x1, s1  }
0x8c: {  	s18 =	sshll.u32 s0, $0xA;
	s2 =	sadd.s32 s3, s2  }
0x8d: {  	s2 =	sadd.s32 s2, s18  }
0x8e: {  	[smem:$0x3FC4] =	sst s2  }
0x8f: {  	_ = 	snop  }
0x90: {  	s2 =	sld [smem:$0x3FC9]  }
0x91: {  	s19 =	sld [smem:$0x3FC6]  }
0x92: {  	s4 =	sld [smem:$0x3FD0];
	(tm) =	ssettm $0x1  }
0x93: {  	s5 =	sld [smem:$0x3FFB];
	_ =	sdelay $0x3  }
0x94: {  	_ =	strace s5  }
0x95: {  	s5 =	sld [smem:$0x3FFC];
	_ =	sdelay $0x3  }
0x96: {  	_ =	strace s5  }
0x97: {  	s5 =	sld [smem:$0x3FFD];
	_ =	sdelay $0x3  }
0x98: {  	_ =	strace s5  }
0x99: {  	_ =	strace $0x8FFFFFFF  }
0x9a: {  	s20 =	sld [smem:$0x3FDB];
	_ =	sdelay $0x1  }
0x9b: {  	s6 =	simm.s32 $_scs_section_size  }
0x9c: {  	s7 =	simm.s32 $_size__tile_overlayer_lowered;
	s8 =	simm.s32 $_tile_overlayer_lowered  }
0x9d: {  	s23 =	simm.s32 $0x1BFF;
	s22 =	sshll.u32 s8, $0x1;
	s5 =	sadd.s32 s6, s20  }
0x9e: {  	s9 =	simm.s32 $0x0;
	s21 =	sshll.u32 s7, $0x1;
	s7 =	sadd.s32 s22, s5  }
0x9f: {  	[timem:s9], [sflag:s23] =	dma.local [hbm:s7], s21  }
0xa0: {  	_ =	swait.ge [sflag:s23], s21  }
0xa1: {  	s6 =	ssub.s32 $0x0, s21;
	[sflag:s23] =	ssyncset.done $0x0  }
0xa2: {  	[sflag:s23] =	ssyncadd.s32 s6;
	_ =	sdelay $0x1  }
0xa3: {  	s24 =	simm.s32 $0x1B8B  }
0xa4: {  	_ =	swait.ge [sflag:s24], $0x1  }
0xa5: {  	[sflag:s24] =	ssyncset.done $0x0  }
0xa6: {  	s25 =	simm.s32 $0x1B8E;
	[sflag:s24] =	ssyncadd.s32 $0xFFFFFFFF  }
0xa7: {  	s26 =	simm.s32 $execute0_lowered;
	[smem:$0x3FD2] =	sst s25  }
0xa8: {  	s6 =	sshll.u32 s26, $0x1;
	_ =	strace $0x80000046;
	[dreg:$0x1] =	wrdreg $0xFFFFFFFF  }
0xa9: {  	s28 =	simm.s32 $_size_execute0_lowered;
	s5 =	sadd.s32 s5, s6;
	[dreg:$0x0] =	wrdreg $0x0  }
0xaa: {  	s6 =	sshll.u32 s28, $0x1;
	[dreg:$0x2] =	wrdreg s5  }
0xab: {  	[dreg:$0x3] =	wrdreg s6  }
0xac: {  	[dreg:$0x4] =	wrdreg $0xC0  }
0xad: {  	_ =	task [dreg:s9], $0x5FFFF  }
0xae: {  	[dreg:$0x1] =	wrdreg $0xFFFFFFFF  }
0xaf: {  	[dreg:$0x0] =	wrdreg $0x60  }
0xb0: {  	[dreg:$0x2] =	wrdreg s2  }
0xb1: {  	[dreg:$0x3] =	wrdreg s19  }
0xb2: {  	[dreg:$0x4] =	wrdreg s4  }
0xb3: {  	[dreg:$0x5] =	wrdreg $0x9  }
0xb4: {  	_ =	task.clear_ibuf [dreg:s9], $0x6FFFF;
	_ =	strace $0x90000046  }
0xb5: {  	s29 =	simm.s32 $0x9;
	_ =	strace $0x80000048  }
0xb6: {  	_ =	swait.ge [sflag:s29], $0x1  }
0xb7: {  	[sflag:s29] =	ssyncadd.s32 $0xFFFFFFFF  }
0xb8: {  	_ =	strace $0x90000048  }
0xb9: {  	_ =	sfence  }
0xba: {  	s30 =	sld [smem:$0x0];
	_ =	sdelay $0x2  }
0xbb: {  	s31 =	sshll.u32 s1, $0xD;
	s1 =	sshrl.u32 s1, $0x2  }
0xbc: {  	s3 =	sand.u32 $0x4000, s31;
	s1 =	sadd.s32 s1, s30  }
0xbd: {  	s0 =	sor.u32 s3, s0;
	s1 =	sshll.u32 s1, $0x11  }
0xbe: {  	s0 =	sor.u32 s1, s0  }
0xbf: {  	s0 =	sadd.s32 $0x8F2B, s0  }
0xc0: {  	[sflag:s0] =	ssyncadd.remote.s32 $0x1  }
0xc1: {  	_ =	sfence.sel $0xFFFF  }
0xc2: {  	[dreg:$0x0] =	wrdreg $0xFFFFFFFF;
	(pc) =	sbr.abs _section_cstart, $3  }
0xc3: {  	[dreg:$0x1] =	wrdreg $0xFFFFFFFF  }
0xc4: {  	_ =	task.clear_ibuf [dreg:s9], $0x2FFFF;
	_ =	strace $0x9FFFFFFF  }
0xc5: {  	(tm) =	ssettm $0x7FFFFFFF  }
tec
execute0_lowered:
.L_overlay_start_1:
0x0: {  	(tag) =	ssettag $0x1  }
0x1: {  	s1 =	rddreg [dreg:$0x0]  }
0x2: {  	s2 =	srdreg.scid;
	s0 =	stileid.u32  }
0x3: {  	s4 =	rddreg [dreg:$0x1];
	s6 =	sand.u32 $0x1, s2;
	s30 =	sshll.u32 s0, $0x1  }
0x4: {  	s9 =	rddreg [dreg:$0x2];
	s3 =	simm.s32 $0x0;
	s5 =	sor.u32 s6, s30  }
0x5: {  	[smem:$0x7FF] =	sst s3;
	s10 =	smul.u32 $0x9C4, s5  }
0x6: {  	s2 =	rddreg [dreg:$0x3];
	_ =	strace $0x80000047  }
0x7: {  	s11 =	ssub.s32 $0x2, s6;
	s5 =	sadd.s32 s4, s10;
	s4 =	simm.s32 $0x2  }
0x8: {  	[tilespmem:s3], [sflag:$0x2] =	stream.linear.gather [hbm4b:s5+s3], $0x4E20, $0x38;
	[tilespmem:$0x9D00] =	vst v63  }
0x9: {  	s7 =	simm.s32 $0x4E80;
	s12 =	sshrl.u32 s11, $0x1;
	_ =	swait.ge [sflag:s4], $0x4E20  }
0xa: {  	s8 =	simm.s32 $0x1;
	s11 =	ssub.s32 s11, s12;
	[sflag:s4] =	ssyncset.done $0x0  }
0xb: {  	s6 =	simm.s32 $0x4E20;
	s31 =	smax.u32 s11, $0x1;
	[sflag:s4] =	ssyncadd.s32 $0xFFFFB1E0  }
0xc: {  	[tilespmem:s7], [sflag:$0x1] =	stream.indirect.gather [hbm4b:s1+s6], $0x1, s3, s6, $0xb8;
	[tilespmem:$0x9D00] =	vst v63  }
0xd: {  	p0 =	sne.s32 s31, $0x1;
	_ =	swait.ge [sflag:s8], $0x4E20  }
.Ltmp0:
0xe: {  	[sflag:s8] =	ssyncset.done $0x0;
	(pc) =	sbr.rel @!p0 .LBB2_2-.Ltmp0, $4  }
0xf: {  	s9 =	sadd.s32 s9, s10;
	[sflag:s8] =	ssyncadd.s32 $0xFFFFB1E0  }
0x10: {  	[hbm4b:s9+s3] =	stream.linear.scatter [tilespmem:s7], [sflag:$0x2], $0x4E20, $0x38;
	[tilespmem:$0x9D00] =	vst v63  }
0x11: {  	_ =	swait.ge [sflag:s4], $0x4E20  }
0x12: {  	s10 =	sadd.s32 $0xFFFFFFFF, s31;
	[sflag:s4] =	ssyncset.done $0x0  }
.LBB2_1:
0x13: {  	p0 =	sne.s32 s10, $0x1;
	s10 =	sadd.s32 $0xFFFFFFFF, s10;
	[sflag:s4] =	ssyncadd.s32 $0xFFFFB1E0  }
0x14: {  	[tilespmem:s3], [sflag:$0x2] =	stream.linear.gather [hbm4b:s5+s3], $0x4E20, $0x38;
	[tilespmem:$0x9D00] =	vst v63  }
0x15: {  	_ =	swait.ge [sflag:s4], $0x4E20  }
0x16: {  	[sflag:s4] =	ssyncset.done $0x0  }
0x17: {  	[sflag:s4] =	ssyncadd.s32 $0xFFFFB1E0  }
0x18: {  	[tilespmem:s7], [sflag:$0x1] =	stream.indirect.gather [hbm4b:s1+s6], $0x1, s3, s6, $0xb8;
	[tilespmem:$0x9D00] =	vst v63  }
0x19: {  	_ =	swait.ge [sflag:s8], $0x4E20  }
.Ltmp1:
0x1a: {  	[sflag:s8] =	ssyncset.done $0x0;
	(pc) =	sbr.rel @p0 .LBB2_1-.Ltmp1, $4  }
0x1b: {  	[sflag:s8] =	ssyncadd.s32 $0xFFFFB1E0  }
0x1c: {  	[hbm4b:s9+s3] =	stream.linear.scatter [tilespmem:s7], [sflag:$0x2], $0x4E20, $0x38;
	[tilespmem:$0x9D00] =	vst v63  }
0x1d: {  	_ =	swait.ge [sflag:s4], $0x4E20  }
0x1e: {  	[sflag:s4] =	ssyncset.done $0x0  }
.LBB2_2:
0x1f: {  	[sflag:s4] =	ssyncadd.s32 $0xFFFFB1E0  }
0x20: {  	_ =	sfence.sel $0x180000  }
0x21: {  	[bflag:$0x0] =	sbarrier.arrive $0xFFFF  }
0x22: {  	p0 =	sne.s32 s0, $0x0;
	_ =	strace $0x90000047  }
0x23: {  	s0 =	sadd.s32 @!p0 $0x100000, s2;
	[bflag:$0x2] =	sbarrier.arrive $0xFFFF  }
0x24: {  	[sflag:s0] =	ssyncadd.tile.s32 @!p0 $0x1;
	_ =	shalt  }
.Lfunc_end2:
_tile_overlayer_lowered:
.L_overlay_start_2:
0x25: {  	(tag) =	ssettag $0x2  }
0x26: {  	s0 =	rddreg [dreg:$0x0];
	s2 =	stileid.u32  }
0x27: {  	s1 =	rddreg [dreg:$0x1];
	p0 =	sne.s32 s2, $0x0  }
0x28: {  	s3 =	rddreg [dreg:$0x2];
	[bflag:$0x3] =	sbarrier.arrive $0xFFFF;
	s2 =	simm.s32 @!p0 $0x1C02  }
0x29: {  	[timem:s3], [sflag:s2] =	dma.local @!p0 [hbm:s0], s1  }
0x2a: {  	s0 =	simm.s32 @!p0 $0x2  }
0x2b: {  	_ =	swait.ge @!p0 [sflag:s0], s1  }
0x2c: {  	s1 =	ssub.s32 @!p0 $0x0, s1;
	[sflag:s0] =	ssyncset.done @!p0 $0x0  }
0x2d: {  	[sflag:s0] =	ssyncadd.s32 @!p0 s1  }
0x2e: {  	[bflag:$0x3] =	sbarrier.arrive $0xFFFF  }
0x2f: {  	_ =	shalt  }

</sc_bundles>
